<compile_context>
chip_gen: v7x
topology: tpu7x:2x2x1
jax: 0.10.2.dev20260603
libtpu: 0.0.44.dev20260713+nightly
codegen_flags: <defaults>
</compile_context>

<pallas_src>
import functools

import jax
import jax.numpy as jnp
from jax import lax
from jax.experimental import pallas as pl
from jax.experimental.pallas import tpu as pltpu
from jax.experimental.pallas import tpu_sc as plsc

SEQ_LEN = 200
HID = 128
TAGS = 1000
ROWS_PER_W = 16
N_WORKERS = 13
N_ROWS_OUT = N_WORKERS * ROWS_PER_W


def _sc_gather(sentence, emb_table):
    mesh = plsc.VectorSubcoreMesh(core_axis_name="c", subcore_axis_name="s",
                                  num_cores=1)

    @functools.partial(
        pl.kernel,
        mesh=mesh,
        out_type=jax.ShapeDtypeStruct((N_ROWS_OUT, HID), jnp.float32),
        compiler_params=pltpu.CompilerParams(
            disable_bounds_checks=True,
            disable_semaphore_checks=True,
        ),
        scratch_types=[
            pltpu.VMEM((ROWS_PER_W,), jnp.int32),
            pltpu.VMEM((ROWS_PER_W, HID), jnp.float32),
            pltpu.SemaphoreType.DMA,
        ],
    )
    def k(sent_hbm, table_hbm, out_hbm, idx_v, rows_v, sem):
        wid = lax.axis_index("s")

        @pl.when(wid < N_WORKERS)
        def _():
            base = wid * ROWS_PER_W - jnp.where(wid == N_WORKERS - 1, 8, 0)
            pltpu.sync_copy(sent_hbm.at[pl.ds(base, ROWS_PER_W)], idx_v)
            pltpu.async_copy(table_hbm.at[idx_v], rows_v, sem).wait()
            pltpu.sync_copy(rows_v,
                            out_hbm.at[pl.ds(wid * ROWS_PER_W, ROWS_PER_W)])

    return k(sentence, emb_table)


def _tc_head(rows, W, b2):

    def body(p_ref, w_ref, b_ref, o_ref):
        psum = (jnp.sum(p_ref[0:192, :], axis=0, keepdims=True)
                + jnp.sum(p_ref[200:208, :], axis=0, keepdims=True))
        vec = psum * (1.0 / SEQ_LEN)
        tag = lax.dot_general(vec, w_ref[...], (((1,), (1,)), ((), ())),
                              preferred_element_type=jnp.float32)
        tag = tag + b_ref[...]
        m = jnp.max(tag, axis=1, keepdims=True)
        e = jnp.exp(tag - m)
        s = jnp.sum(e, axis=1, keepdims=True)
        o_ref[...] = tag - m - jnp.log(s)

    return pl.pallas_call(
        body,
        out_shape=jax.ShapeDtypeStruct((1, TAGS), jnp.float32),
        compiler_params=pltpu.CompilerParams(
            disable_bounds_checks=True,
            disable_semaphore_checks=True,
        ),
    )(rows, W, b2)


def kernel(sentence, emb_table, W, b):
    sentence = sentence.astype(jnp.int32)
    rows = _sc_gather(sentence, emb_table)
    return _tc_head(rows, W, b.reshape(1, TAGS))

# --- scband reference (transcript-rebuilt; emitter-appended) ---
"""Pipeline reference for scband-bow-pre-29076928594120 (READ-ONLY COPY).

The authoritative reference and input builder live on the scoring server;
editing this copy changes nothing except your own understanding.
"""

import jax, jax.numpy as jnp
import numpy as np

VOCAB = 100000
HIDDEN_DIM = 128
TAGSET_SIZE = 1000
SEQ_LEN = 200

def setup_inputs(seed: int = 0) -> dict:
    key = jax.random.key(seed)
    k1, k2, k3, k4 = jax.random.split(key, 4)
    sentence = jax.random.randint(k1, (SEQ_LEN,), 0, VOCAB, dtype=jnp.int64) if jax.config.jax_enable_x64 else jax.random.randint(k1, (SEQ_LEN,), 0, VOCAB, dtype=jnp.int32)
    emb_table = jax.random.normal(k2, (VOCAB, HIDDEN_DIM), dtype=jnp.float32)
    # Linear layer: PyTorch default init (uniform in +-1/sqrt(fan_in))
    bound = 1.0 / np.sqrt(HIDDEN_DIM)
    W = jax.random.uniform(k3, (TAGSET_SIZE, HIDDEN_DIM), dtype=jnp.float32, minval=-bound, maxval=bound)
    b = jax.random.uniform(k4, (TAGSET_SIZE,), dtype=jnp.float32, minval=-bound, maxval=bound)
    return {"sentence": sentence, "emb_table": emb_table, "W": W, "b": b}

def reference(sentence, emb_table, W, b):
    # embeds = self.word_embeddings(sentence)  -> gather rows
    embeds = jnp.take(emb_table, sentence, axis=0)  # [L, hidden_dim]
    # sentence_vector = sum(embeds) / len(embeds)  (python sum over dim 0 / L == mean over tokens)
    sentence_vector = jnp.sum(embeds, axis=0) / embeds.shape[0]  # [hidden_dim]
    # tag_space = self.hidden2tag(sentence_vector)
    tag_space = sentence_vector @ W.T + b  # [tagset_size]
    # tag_scores = F.log_softmax(tag_space.view(1, -1), dim=1)
    tag_scores = jax.nn.log_softmax(tag_space.reshape(1, -1), axis=1)
    return tag_scores

if __name__ == "__main__":
    import jax
    _d = setup_inputs()
    print(jax.jit(kernel)(*tuple(_d.values())))

</pallas_src>

<mosaic_0001>
#map = affine_map<(d0, d1) -> (0)>
#map1 = affine_map<(d0, d1) -> (0, 0)>
module attributes {stable_mosaic.version = 14 : i64} {
  func.func @k(%arg0: i32, %arg1: i32, %arg2: memref<200xi32, #tpu.memory_space<hbm>>, %arg3: memref<100000x128xf32, #tpu.memory_space<hbm>>, %arg4: memref<208x128xf32, #tpu.memory_space<hbm>>, %arg5: memref<16xi32, #tpu.memory_space<vmem>>, %arg6: memref<16x128xf32, #tpu.memory_space<vmem>>, %arg7: memref<!tpu.dma_semaphore, #tpu.memory_space<semaphore_mem>>) attributes {dimension_semantics = [#tpu.dimension_semantics<core_parallel>, #tpu.dimension_semantics<subcore_parallel>], iteration_bounds = array<i64: 1, 16>, scalar_prefetch = 0 : i64, scratch_operands = 3 : i64, tpu.core_type = #tpu.core_type<sc_vector_subcore>, window_params = [{transform_indices = #map}, {transform_indices = #map1}, {transform_indices = #map1}]} {
    %lt3A = arith.constant 13 : i32
    %lt3A_0 = arith.cmpi slt, %arg1, %lt3A : i32
    %convert_element_type3A = arith.extui %lt3A_0 : i1 to i32
    %cond3A = arith.constant 0 : i32
    %cond3A_1 = arith.cmpi ne, %convert_element_type3A, %cond3A : i32
    scf.if %cond3A_1 {
      %mul3A = arith.constant 16 : i32
      %mul3A_2 = arith.muli %arg1, %mul3A : i32
      %eq3A = arith.constant 12 : i32
      %eq3A_3 = arith.cmpi eq, %arg1, %eq3A : i32
      %jit3A = arith.constant 8 : i32
      %jit3A_4 = arith.constant 0 : i32
      %select_n3A = arith.select %eq3A_3, %jit3A, %jit3A_4 : i32
      %sub3A = arith.subi %mul3A_2, %select_n3A : i32
      "tpu.region"() ({
        %run_scoped3A = tpu.sem_alloc : memref<!tpu.dma_semaphore, #tpu.memory_space<semaphore_mem>>
        %dma_start3A_11 = tpu.memref_slice %arg2[%sub3A] : memref<200xi32, #tpu.memory_space<hbm>> -> memref<16xi32, #tpu.memory_space<hbm>>
        %dma_start3A_12 = tpu.memref_slice %arg2[%sub3A] : memref<200xi32, #tpu.memory_space<hbm>> -> memref<16xi32, #tpu.memory_space<hbm>>
        tpu.enqueue_dma source(%dma_start3A_12 : memref<16xi32, #tpu.memory_space<hbm>>) target(%arg5 : memref<16xi32, #tpu.memory_space<vmem>>) target_semaphore(%run_scoped3A : memref<!tpu.dma_semaphore, #tpu.memory_space<semaphore_mem>>)
        %dma_wait3A_13 = tpu.memref_slice %arg2[%sub3A] : memref<200xi32, #tpu.memory_space<hbm>> -> memref<16xi32, #tpu.memory_space<hbm>>
        %dma_wait3A_14 = tpu.memref_slice %arg2[%sub3A] : memref<200xi32, #tpu.memory_space<hbm>> -> memref<16xi32, #tpu.memory_space<hbm>>
        tpu.wait_dma2 semaphore(%run_scoped3A : memref<!tpu.dma_semaphore, #tpu.memory_space<semaphore_mem>>) src(%dma_wait3A_14 : memref<16xi32, #tpu.memory_space<hbm>>) dst(%arg5 : memref<16xi32, #tpu.memory_space<vmem>>)
        tpu.yield
      }) : () -> ()
      %dma_start3A = arith.constant 0 : i32
      %dma_start3A_5 = arith.constant 0 : i32
      %dma_start3A_6 = tpu.memref_slice %arg3[%dma_start3A, %dma_start3A_5] : memref<100000x128xf32, #tpu.memory_space<hbm>> -> memref<100000x128xf32, #tpu.memory_space<hbm>>
      tpu.enqueue_indirect_dma source(%dma_start3A_6 : memref<100000x128xf32, #tpu.memory_space<hbm>>) target(%arg6 : memref<16x128xf32, #tpu.memory_space<vmem>>) offsets(%arg5 : memref<16xi32, #tpu.memory_space<vmem>>) semaphore(%arg7 : memref<!tpu.dma_semaphore, #tpu.memory_space<semaphore_mem>>)
      %dma_wait3A = arith.constant 0 : i32
      %dma_wait3A_7 = arith.constant 0 : i32
      %dma_wait3A_8 = tpu.memref_slice %arg3[%dma_wait3A, %dma_wait3A_7] : memref<100000x128xf32, #tpu.memory_space<hbm>> -> memref<100000x128xf32, #tpu.memory_space<hbm>>
      tpu.wait_indirect_dma semaphore(%arg7 : memref<!tpu.dma_semaphore, #tpu.memory_space<semaphore_mem>>) src(%dma_wait3A_8 : memref<100000x128xf32, #tpu.memory_space<hbm>>) dst(%arg6 : memref<16x128xf32, #tpu.memory_space<vmem>>)
      %mul3A_9 = arith.constant 16 : i32
      %mul3A_10 = arith.muli %arg1, %mul3A_9 : i32
      "tpu.region"() ({
        %run_scoped3A = tpu.sem_alloc : memref<!tpu.dma_semaphore, #tpu.memory_space<semaphore_mem>>
        %dma_start3A_11 = arith.constant 0 : i32
        %dma_start3A_12 = tpu.memref_slice %arg4[%mul3A_10, %dma_start3A_11] : memref<208x128xf32, #tpu.memory_space<hbm>> -> memref<16x128xf32, #tpu.memory_space<hbm>>
        %dma_start3A_13 = arith.constant 0 : i32
        %dma_start3A_14 = tpu.memref_slice %arg4[%mul3A_10, %dma_start3A_13] : memref<208x128xf32, #tpu.memory_space<hbm>> -> memref<16x128xf32, #tpu.memory_space<hbm>>
        tpu.enqueue_dma source(%arg6 : memref<16x128xf32, #tpu.memory_space<vmem>>) target(%dma_start3A_14 : memref<16x128xf32, #tpu.memory_space<hbm>>) target_semaphore(%run_scoped3A : memref<!tpu.dma_semaphore, #tpu.memory_space<semaphore_mem>>)
        %dma_wait3A_15 = arith.constant 0 : i32
        %dma_wait3A_16 = tpu.memref_slice %arg4[%mul3A_10, %dma_wait3A_15] : memref<208x128xf32, #tpu.memory_space<hbm>> -> memref<16x128xf32, #tpu.memory_space<hbm>>
        %dma_wait3A_17 = arith.constant 0 : i32
        %dma_wait3A_18 = tpu.memref_slice %arg4[%mul3A_10, %dma_wait3A_17] : memref<208x128xf32, #tpu.memory_space<hbm>> -> memref<16x128xf32, #tpu.memory_space<hbm>>
        tpu.wait_dma2 semaphore(%run_scoped3A : memref<!tpu.dma_semaphore, #tpu.memory_space<semaphore_mem>>) src(%arg6 : memref<16x128xf32, #tpu.memory_space<vmem>>) dst(%dma_wait3A_18 : memref<16x128xf32, #tpu.memory_space<hbm>>)
        tpu.yield
      }) : () -> ()
    } else {
    }
    return
  }
}

module attributes {stable_mosaic.version = 14 : i64} {
  func.func @body(%arg0: memref<208x128xf32, #tpu.memory_space<vmem>>, %arg1: memref<1000x128xf32, #tpu.memory_space<vmem>>, %arg2: memref<1x1000xf32, #tpu.memory_space<vmem>>, %arg3: memref<1x1000xf32, #tpu.memory_space<vmem>>) attributes {dimension_semantics = [], scalar_prefetch = 0 : i64, scratch_operands = 0 : i64, tpu.core_type = #tpu.core_type<tc>} {
    %get3A = arith.constant 0 : index
    %get3A_0 = arith.constant 0 : index
    %get3A_1 = vector.load %arg0[%get3A, %get3A_0] : memref<208x128xf32, #tpu.memory_space<vmem>>, vector<192x128xf32>
    %reduce_sum3A = arith.constant dense<0.000000e+00> : vector<128xf32>
    %reduce_sum3A_2 = vector.multi_reduction <add>, %get3A_1, %reduce_sum3A [0] : vector<192x128xf32> to vector<128xf32>
    %broadcast_in_dim3A = vector.shape_cast %reduce_sum3A_2 : vector<128xf32> to vector<1x128xf32>
    %get3A_3 = arith.constant 200 : index
    %get3A_4 = arith.constant 0 : index
    %get3A_5 = vector.load %arg0[%get3A_3, %get3A_4] : memref<208x128xf32, #tpu.memory_space<vmem>>, vector<8x128xf32>
    %reduce_sum3A_6 = arith.constant dense<0.000000e+00> : vector<128xf32>
    %reduce_sum3A_7 = vector.multi_reduction <add>, %get3A_5, %reduce_sum3A_6 [0] : vector<8x128xf32> to vector<128xf32>
    %broadcast_in_dim3A_8 = vector.shape_cast %reduce_sum3A_7 : vector<128xf32> to vector<1x128xf32>
    %add3A = arith.addf %broadcast_in_dim3A, %broadcast_in_dim3A_8 : vector<1x128xf32>
    %mul3A = arith.constant 5.000000e-03 : f32
    %mul3A_9 = vector.broadcast %mul3A : f32 to vector<1x128xf32>
    %mul3A_10 = arith.mulf %add3A, %mul3A_9 : vector<1x128xf32>
    %get3A_11 = arith.constant 0 : index
    %get3A_12 = arith.constant 0 : index
    %get3A_13 = vector.load %arg1[%get3A_11, %get3A_12] : memref<1000x128xf32, #tpu.memory_space<vmem>>, vector<1000x128xf32>
    %dot_general3A = arith.constant dense<0.000000e+00> : vector<1x1000xf32>
    %dot_general3A_14 = tpu.matmul %mul3A_10, %get3A_13, %dot_general3A {dimension_numbers = #tpu.dot_dimension_numbers<[1], [1], [0], [0], [0, 0, 1, 0], [], []>, transpose_lhs_hint = false} : vector<1x128xf32>, vector<1000x128xf32>, vector<1x1000xf32> -> vector<1x1000xf32>
    %get3A_15 = arith.constant 0 : index
    %get3A_16 = arith.constant 0 : index
    %get3A_17 = vector.load %arg2[%get3A_15, %get3A_16] : memref<1x1000xf32, #tpu.memory_space<vmem>>, vector<1x1000xf32>
    %add3A_18 = arith.addf %dot_general3A_14, %get3A_17 : vector<1x1000xf32>
    %reduce_max3A = arith.constant dense<0xFF800000> : vector<1xf32>
    %reduce_max3A_19 = vector.multi_reduction <maximumf>, %add3A_18, %reduce_max3A [1] : vector<1x1000xf32> to vector<1xf32>
    %broadcast_in_dim3A_20 = vector.shape_cast %reduce_max3A_19 : vector<1xf32> to vector<1x1xf32>
    %sub3A = vector.broadcast %broadcast_in_dim3A_20 : vector<1x1xf32> to vector<1x1000xf32>
    %sub3A_21 = arith.subf %add3A_18, %sub3A : vector<1x1000xf32>
    %exp3A = math.exp %sub3A_21 : vector<1x1000xf32>
    %reduce_sum3A_22 = arith.constant dense<0.000000e+00> : vector<1xf32>
    %reduce_sum3A_23 = vector.multi_reduction <add>, %exp3A, %reduce_sum3A_22 [1] : vector<1x1000xf32> to vector<1xf32>
    %broadcast_in_dim3A_24 = vector.shape_cast %reduce_sum3A_23 : vector<1xf32> to vector<1x1xf32>
    %sub3A_25 = vector.broadcast %broadcast_in_dim3A_20 : vector<1x1xf32> to vector<1x1000xf32>
    %sub3A_26 = arith.subf %add3A_18, %sub3A_25 : vector<1x1000xf32>
    %log3A = math.log %broadcast_in_dim3A_24 : vector<1x1xf32>
    %sub3A_27 = vector.broadcast %log3A : vector<1x1xf32> to vector<1x1000xf32>
    %sub3A_28 = arith.subf %sub3A_26, %sub3A_27 : vector<1x1000xf32>
    %swap3A = arith.constant 0 : index
    %swap3A_29 = arith.constant 0 : index
    %swap3A_30 = vector.load %arg3[%swap3A, %swap3A_29] : memref<1x1000xf32, #tpu.memory_space<vmem>>, vector<1x1000xf32>
    tpu.vector_store %arg3[%swap3A, %swap3A_29], %sub3A_28 {strides = array<i32>} : memref<1x1000xf32, #tpu.memory_space<vmem>>, vector<1x1000xf32>,
    return
  }
}

</mosaic_0001>

<sc_bundles>
// kernel: kernel.4.cloned.1.call-start
scs
__scs_entry_jumppad:
0x0: {  	(pc) =	sbr.rel $0x88, $3  }
0x1: {  	(tag) =	ssettag $0x0;
	lr =	simm.s32 $0x1  }
0x2: {  	[smem:$0x3F9D] =	sst lr;
	_ =	strace $0xD0000000  }
0x3: {  	_ = 	snop  }
0x4: {  	_ = 	snop  }
0x5: {  	_ = 	snop  }
0x6: {  	_ = 	snop  }
0x7: {  	_ = 	snop  }
__scs_overlays_trampoline_lowered:
0x8: {  	[smem:$0x3FAC] =	sst s0  }
0x9: {  	[smem:$0x3FAD] =	sst s1  }
0xa: {  	[smem:$0x3FAE] =	sst s2  }
0xb: {  	[smem:$0x3FAF] =	sst s3  }
0xc: {  	[smem:$0x3FB0] =	sst s4  }
0xd: {  	[smem:$0x3FB1] =	sst s5  }
0xe: {  	[smem:$0x3FB2] =	sst s6  }
0xf: {  	[smem:$0x3FB3] =	sst s7  }
0x10: {  	[smem:$0x3FB4] =	sst s8  }
0x11: {  	[smem:$0x3FB5] =	sst s9;
	s0 =	simm.s32 @!p0 $0x0  }
0x12: {  	s1 =	sld [smem:$0x3F9B];
	s0 =	simm.s32 @p0 $0x1  }
0x13: {  	[smem:$0x3FB6] =	sst s0;
	s0 =	simm.s32 @!p1 $0x0  }
0x14: {  	s2 =	sld [smem:$0x3F9A];
	s0 =	simm.s32 @p1 $0x1  }
0x15: {  	[smem:$0x3FB7] =	sst s0;
	s0 =	simm.s32 @!p2 $0x0  }
0x16: {  	s3 =	sld [smem:$0x3FDB];
	s0 =	simm.s32 @p2 $0x1  }
0x17: {  	s4 =	simm.s32 $0x1BF5;
	[smem:$0x3FB9] =	sst s0  }
0x18: {  	s0 =	sld [smem:$0x3F9C];
	_ =	swait.ge [sflag:s4], $0x0  }
0x19: {  	s7 =	sld [smem:$0x3F9D]  }
0x1a: {  	s8 =	sadd.s32 $0xFFFFE003, lr  }
0x1b: {  	s9 =	sadd.s32 $0xFFFFFEF7, lr;
	s5 =	simm.s32 $0xFFFFFFFF;
	p2 =	slt.u32 s8, $0xFFFFF086  }
0x1c: {  	p1 =	slt.u32 s9, $0xF7A;
	s5 =	simm.s32 @!p2 $0x0  }
0x1d: {  	s5 =	simm.s32 @p1 $0x1;
	p0 =	seq.s32 s7, s2  }
0x1e: {  	s7 =	smul.u32 @!p0 $0xF7A, s2;
	p2 =	seq.s32 @!p0 s5, $0x0  }
0x1f: {  	s9 =	smul.u32 $0xF7A, s1;
	s8 =	simm.s32 @!p0 $0x1BF5;
	p2 =	por !p2, p0  }
0x20: {  	[sflag:s8] =	ssyncset.s32 @!p0 $0xFFFFF086;
	s6 =	sadd.s32 @!p0 s3, s7;
	s7 =	simm.s32 @!p0 $0x108  }
0x21: {  	s3 =	sadd.s32 s3, s9;
	s6 =	sadd.s32 @!p0 $0x88, s6;
	s7 =	simm.s32 @p2 $0x1082  }
0x22: {  	[simem:s7], [sflag:s8] =	dma.local @!p0 [hbm:s6], $0xF7A  }
0x23: {  	s9 =	sor.u32 $0xD0000000, s2;
	s6 =	simm.s32 $0x108;
	_ =	swait.ge @!p0 [sflag:s8], $0x0  }
0x24: {  	s3 =	sadd.s32 $0x88, s3;
	s6 =	simm.s32 @!p1 $0x1082;
	[sflag:s4] =	ssyncset.s32 $0xFFFFF086  }
0x25: {  	[simem:s6], [sflag:s4] =	dma.local [hbm:s3], $0xF7A  }
0x26: {  	[smem:$0x3F9D] =	sst s1;
	(tag) =	ssettag s2;
	_ =	strace s9  }
0x27: {  	s1 =	sld [smem:$0x3FAD]  }
0x28: {  	s2 =	sld [smem:$0x3FAE]  }
0x29: {  	s4 =	sld [smem:$0x3FB0]  }
0x2a: {  	p0 =	seq.s32 s5, $0x0;
	s5 =	sld [smem:$0x3FB1]  }
0x2b: {  	s6 =	sld [smem:$0x3FB2]  }
0x2c: {  	s7 =	sld [smem:$0x3FB3]  }
0x2d: {  	s3 =	simm.s32 $0x108;
	s8 =	sld [smem:$0x3FB4]  }
0x2e: {  	s3 =	simm.s32 @!p0 $0x1082;
	s9 =	sld [smem:$0x3FB5]  }
0x2f: {  	lr =	sadd.s32 s0, s3;
	s0 =	sld [smem:$0x3FAC]  }
0x30: {  	s3 =	sld [smem:$0x3FAF]  }
0x31: {  	[smem:$0x3FB8] =	sst s10  }
0x32: {  	s10 =	sld [smem:$0x3FB6];
	_ =	sdelay $0x3  }
0x33: {  	p0 =	seq.s32 s10, $0x1;
	s10 =	sld [smem:$0x3FB8];
	_ =	sdelay $0x3  }
0x34: {  	[smem:$0x3FB8] =	sst s10  }
0x35: {  	s10 =	sld [smem:$0x3FB7];
	_ =	sdelay $0x3  }
0x36: {  	p1 =	seq.s32 s10, $0x1;
	s10 =	sld [smem:$0x3FB8];
	_ =	sdelay $0x3  }
0x37: {  	[smem:$0x3FB8] =	sst s10  }
0x38: {  	s10 =	sld [smem:$0x3FB9]  }
0x39: {  	_ = 	snop;
	(pc) =	sbr.ind lr, $3  }
0x3a: {  	_ = 	snop  }
0x3b: {  	_ = 	snop  }
0x3c: {  	p2 =	seq.s32 s10, $0x1;
	s10 =	sld [smem:$0x3FB8]  }
0x3d: {  	_ =	shalt  }
0x3e: {  	_ =	shalt  }
0x3f: {  	_ =	shalt  }
0x40: {  	_ =	shalt  }
0x41: {  	_ =	shalt  }
0x42: {  	_ =	shalt  }
0x43: {  	_ =	shalt  }
0x44: {  	_ =	shalt  }
0x45: {  	_ =	shalt  }
0x46: {  	_ =	shalt  }
0x47: {  	_ =	shalt  }
0x48: {  	_ =	shalt  }
0x49: {  	_ =	shalt  }
0x4a: {  	_ =	shalt  }
0x4b: {  	_ =	shalt  }
0x4c: {  	_ =	shalt  }
0x4d: {  	_ =	shalt  }
0x4e: {  	_ =	shalt  }
0x4f: {  	_ =	shalt  }
0x50: {  	_ =	shalt  }
0x51: {  	_ =	shalt  }
0x52: {  	_ =	shalt  }
0x53: {  	_ =	shalt  }
0x54: {  	_ =	shalt  }
0x55: {  	_ =	shalt  }
0x56: {  	_ =	shalt  }
0x57: {  	_ =	shalt  }
0x58: {  	_ =	shalt  }
0x59: {  	_ =	shalt  }
0x5a: {  	_ =	shalt  }
0x5b: {  	_ =	shalt  }
0x5c: {  	_ =	shalt  }
0x5d: {  	_ =	shalt  }
0x5e: {  	_ =	shalt  }
0x5f: {  	_ =	shalt  }
0x60: {  	_ =	shalt  }
0x61: {  	_ =	shalt  }
0x62: {  	_ =	shalt  }
0x63: {  	_ =	shalt  }
0x64: {  	_ =	shalt  }
0x65: {  	_ =	shalt  }
0x66: {  	_ =	shalt  }
0x67: {  	_ =	shalt  }
0x68: {  	_ =	shalt  }
0x69: {  	_ =	shalt  }
0x6a: {  	_ =	shalt  }
0x6b: {  	_ =	shalt  }
0x6c: {  	_ =	shalt  }
0x6d: {  	_ =	shalt  }
0x6e: {  	_ =	shalt  }
0x6f: {  	_ =	shalt  }
0x70: {  	_ =	shalt  }
0x71: {  	_ =	shalt  }
0x72: {  	_ =	shalt  }
0x73: {  	_ =	shalt  }
0x74: {  	_ =	shalt  }
0x75: {  	_ =	shalt  }
0x76: {  	_ =	shalt  }
0x77: {  	_ =	shalt  }
0x78: {  	_ =	shalt  }
0x79: {  	_ =	shalt  }
0x7a: {  	_ =	shalt  }
0x7b: {  	_ =	shalt  }
0x7c: {  	_ =	shalt  }
0x7d: {  	_ =	shalt  }
0x7e: {  	_ =	shalt  }
0x7f: {  	_ =	shalt  }
0x80: {  	_ =	shalt  }
0x81: {  	_ =	shalt  }
0x82: {  	_ =	shalt  }
0x83: {  	_ =	shalt  }
0x84: {  	_ =	shalt  }
0x85: {  	_ =	shalt  }
0x86: {  	_ =	shalt  }
0x87: {  	_ =	shalt  }
.Lfunc_end0:
.L_simem_size_0:
called_computation_lowered:
.L_overlay_start_0:
0x88: {  	s0 =	sld [smem:$0x3FD9]  }
0x89: {  	s1 =	sld [smem:$0x3FFE];
	_ =	sdelay $0x3  }
0x8a: {  	s0 =	sadd.s32 s1, s0  }
0x8b: {  	[smem:$0x3FC4] =	sst s0  }
0x8c: {  	_ = 	snop  }
0x8d: {  	s0 =	sld [smem:$0x3FC9]  }
0x8e: {  	s16 =	sld [smem:$0x3FC8];
	(tm) =	ssettm $0x1  }
0x8f: {  	s2 =	sld [smem:$0x3FFB];
	_ =	sdelay $0x3  }
0x90: {  	_ =	strace s2  }
0x91: {  	s2 =	sld [smem:$0x3FFC];
	_ =	sdelay $0x3  }
0x92: {  	_ =	strace s2  }
0x93: {  	s2 =	sld [smem:$0x3FFD];
	_ =	sdelay $0x3  }
0x94: {  	_ =	strace s2  }
0x95: {  	_ =	strace $0x8FFFFFFF  }
0x96: {  	s17 =	sld [smem:$0x3FDB];
	_ =	sdelay $0x1  }
0x97: {  	s3 =	simm.s32 $_scs_section_size  }
0x98: {  	s4 =	simm.s32 $_size__tile_overlayer_lowered;
	s5 =	simm.s32 $_tile_overlayer_lowered  }
0x99: {  	s20 =	simm.s32 $0x1BFF;
	s19 =	sshll.u32 s5, $0x1;
	s2 =	sadd.s32 s3, s17  }
0x9a: {  	s6 =	simm.s32 $0x0;
	s18 =	sshll.u32 s4, $0x1;
	s4 =	sadd.s32 s19, s2  }
0x9b: {  	[timem:s6], [sflag:s20] =	dma.local [hbm:s4], s18  }
0x9c: {  	_ =	swait.ge [sflag:s20], s18  }
0x9d: {  	s3 =	ssub.s32 $0x0, s18;
	[sflag:s20] =	ssyncset.done $0x0  }
0x9e: {  	[sflag:s20] =	ssyncadd.s32 s3;
	_ =	sdelay $0x1  }
0x9f: {  	s21 =	simm.s32 $0x1B8B  }
0xa0: {  	_ =	swait.ge [sflag:s21], $0x1  }
0xa1: {  	[sflag:s21] =	ssyncset.done $0x0  }
0xa2: {  	s23 =	simm.s32 $0x1B8E;
	s22 =	sld [smem:$0x3FFE];
	[sflag:s21] =	ssyncadd.s32 $0xFFFFFFFF  }
0xa3: {  	s24 =	simm.s32 $execute0_lowered;
	[smem:$0x3FD2] =	sst s23  }
0xa4: {  	s4 =	sshll.u32 s24, $0x1;
	_ =	strace $0x80000046;
	[dreg:$0x1] =	wrdreg $0xFFFFFFFF  }
0xa5: {  	s25 =	simm.s32 $_size_execute0_lowered;
	s2 =	sadd.s32 s2, s4;
	[dreg:$0x0] =	wrdreg $0x0  }
0xa6: {  	s4 =	sshll.u32 s25, $0x1;
	[dreg:$0x2] =	wrdreg s2  }
0xa7: {  	[dreg:$0x3] =	wrdreg s4  }
0xa8: {  	[dreg:$0x4] =	wrdreg $0xC0  }
0xa9: {  	_ =	task [dreg:s6], $0x5FFFF  }
0xaa: {  	[dreg:$0x1] =	wrdreg $0xFFFFFFFF  }
0xab: {  	[dreg:$0x0] =	wrdreg $0x60  }
0xac: {  	[dreg:$0x2] =	wrdreg s0  }
0xad: {  	[dreg:$0x3] =	wrdreg s16  }
0xae: {  	[dreg:$0x4] =	wrdreg s22  }
0xaf: {  	[dreg:$0x5] =	wrdreg $0x9  }
0xb0: {  	_ =	task.clear_ibuf [dreg:s6], $0x6FFFF;
	_ =	strace $0x90000046  }
0xb1: {  	s26 =	simm.s32 $0x9;
	_ =	strace $0x80000048  }
0xb2: {  	_ =	swait.ge [sflag:s26], $0x1  }
0xb3: {  	[sflag:s26] =	ssyncadd.s32 $0xFFFFFFFF  }
0xb4: {  	_ =	strace $0x90000048  }
0xb5: {  	_ =	sfence  }
0xb6: {  	s28 =	sld [smem:$0x0];
	_ =	sdelay $0x1  }
0xb7: {  	s29 =	srdreg.scid  }
0xb8: {  	s30 =	sshll.u32 s29, $0xD;
	s31 =	sshrl.u32 s29, $0x2  }
0xb9: {  	s1 =	sand.u32 $0x1, s29;
	s2 =	sand.u32 $0x4000, s30;
	s0 =	sadd.s32 s31, s28  }
0xba: {  	s1 =	sor.u32 s2, s1;
	s0 =	sshll.u32 s0, $0x11  }
0xbb: {  	s0 =	sor.u32 s0, s1  }
0xbc: {  	s0 =	sadd.s32 $0x8F2B, s0  }
0xbd: {  	[sflag:s0] =	ssyncadd.remote.s32 $0x1  }
0xbe: {  	_ =	sfence.sel $0xFFFF  }
0xbf: {  	[dreg:$0x0] =	wrdreg $0xFFFFFFFF;
	(pc) =	sbr.abs _section_cstart, $3  }
0xc0: {  	[dreg:$0x1] =	wrdreg $0xFFFFFFFF  }
0xc1: {  	_ =	task.clear_ibuf [dreg:s6], $0x2FFFF;
	_ =	strace $0x9FFFFFFF  }
0xc2: {  	(tm) =	ssettm $0x7FFFFFFF  }
0xc3: {  	_ =	shalt  }
tec
execute0_lowered:
.L_overlay_start_1:
0x0: {  	(tag) =	ssettag $0x1  }
0x1: {  	s0 =	stileid.u32  }
0x2: {  	p0 =	sgt.u32 s0, $0xC  }
0x3: {  	s1 =	rddreg [dreg:$0x0];
	p1 =	seq.s32 @!p0 s0, $0xC  }
0x4: {  	s2 =	rddreg [dreg:$0x1];
	s3 =	simm.s32 @!p0 $0xFFFFFFF8;
	p1 =	por !p1, p0  }
0x5: {  	s4 =	rddreg [dreg:$0x2];
	s5 =	sshll.u32 @!p0 s0, $0x4;
	s3 =	simm.s32 @p1 $0x0  }
0x6: {  	s6 =	rddreg [dreg:$0x3];
	s7 =	simm.s32 $0x0;
	s3 =	sadd.s32 @!p0 s5, s3  }
0x7: {  	[smem:$0x7FF] =	sst s7;
	s3 =	sshrl.u32 @!p0 s3, $0x3  }
0x8: {  	_ =	strace $0x80000047;
	s1 =	sadd.s32 @!p0 s1, s3;
	s3 =	simm.s32 @!p0 $0x0  }
0x9: {  	[tilespmem:s3], [sflag:$0x2] =	stream.linear.gather @!p0 [hbm4b:s1+s3], $0x10, $0x38;
	[tilespmem:$0x880] =	vst v63  }
0xa: {  	s1 =	simm.s32 @!p0 $0x2  }
0xb: {  	_ =	swait.ge @!p0 [sflag:s1], $0x10  }
0xc: {  	[sflag:s1] =	ssyncset.done @!p0 $0x0  }
0xd: {  	s7 =	simm.s32 @!p0 $0x80;
	s5 =	simm.s32 @!p0 $0x10;
	[sflag:s1] =	ssyncadd.s32 @!p0 $0xFFFFFFF0  }
0xe: {  	[tilespmem:s7], [sflag:$0x1] =	stream.indirect.gather @!p0 [hbm4b:s2+s5], $0x80, s3, s5, $0xb8;
	[tilespmem:$0x880] =	vst v63  }
0xf: {  	s2 =	simm.s32 @!p0 $0x1  }
0x10: {  	_ =	swait.ge @!p0 [sflag:s2], $0x800  }
0x11: {  	s4 =	sadd.s32 $0xA00, s4;
	s5 =	sshll.u32 @!p0 s0, $0x8;
	[sflag:s2] =	ssyncset.done @!p0 $0x0  }
0x12: {  	s4 =	sadd.s32 @!p0 s4, s5;
	[sflag:s2] =	ssyncadd.s32 @!p0 $0xFFFFF800  }
0x13: {  	[hbm4b:s4+s3] =	stream.linear.scatter @!p0 [tilespmem:s7], [sflag:$0x2], $0x800, $0x38;
	[tilespmem:$0x880] =	vst v63  }
0x14: {  	_ =	swait.ge @!p0 [sflag:s1], $0x800  }
0x15: {  	[sflag:s1] =	ssyncset.done @!p0 $0x0  }
0x16: {  	[sflag:s1] =	ssyncadd.s32 @!p0 $0xFFFFF800  }
0x17: {  	_ =	sfence.sel $0x180000  }
0x18: {  	[bflag:$0x0] =	sbarrier.arrive $0xFFFF  }
0x19: {  	p0 =	sne.s32 s0, $0x0;
	_ =	strace $0x90000047  }
0x1a: {  	s0 =	sadd.s32 @!p0 $0x100000, s6;
	[bflag:$0x2] =	sbarrier.arrive $0xFFFF  }
0x1b: {  	[sflag:s0] =	ssyncadd.tile.s32 @!p0 $0x1;
	_ =	shalt  }
.Lfunc_end2:
_tile_overlayer_lowered:
.L_overlay_start_2:
0x1c: {  	(tag) =	ssettag $0x2  }
0x1d: {  	s0 =	rddreg [dreg:$0x0];
	s2 =	stileid.u32  }
0x1e: {  	s1 =	rddreg [dreg:$0x1];
	p0 =	sne.s32 s2, $0x0  }
0x1f: {  	s3 =	rddreg [dreg:$0x2];
	[bflag:$0x3] =	sbarrier.arrive $0xFFFF;
	s2 =	simm.s32 @!p0 $0x1C02  }
0x20: {  	[timem:s3], [sflag:s2] =	dma.local @!p0 [hbm:s0], s1  }
0x21: {  	s0 =	simm.s32 @!p0 $0x2  }
0x22: {  	_ =	swait.ge @!p0 [sflag:s0], s1  }
0x23: {  	s1 =	ssub.s32 @!p0 $0x0, s1;
	[sflag:s0] =	ssyncset.done @!p0 $0x0  }
0x24: {  	[sflag:s0] =	ssyncadd.s32 @!p0 s1  }
0x25: {  	[bflag:$0x3] =	sbarrier.arrive $0xFFFF  }
0x26: {  	_ =	shalt  }

</sc_bundles>
